<compile_context>
chip_gen: v7x
topology: tpu7x:2x2x1
jax: 0.10.2.dev20260603
libtpu: 0.0.44.dev20260713+nightly
codegen_flags: <defaults>
</compile_context>

<pallas_src>
import functools

import jax
import jax.numpy as jnp
from jax import lax
from jax.experimental import pallas as pl
from jax.experimental.pallas import tpu as pltpu
from jax.experimental.pallas import tpu_sc as plsc

N_NODES = 10000
D_IN = 256
D_OUT = 256
N_EDGES = 160000

HALF = D_OUT // 2
N_TILES = 16
E_TILE = N_EDGES // N_TILES
K = 96
N_CHUNKS = 105
E_TILE_P = N_CHUNKS * K
E_PAD = E_TILE_P - E_TILE
ACC_ROWS = 10112
DUMMY_ROW = N_NODES + 16
ROWS_TILE = ACC_ROWS // N_TILES
OUT_TILE = 624


def _mm_body(x_ref, w_ref, o_ref):
    o_ref[...] = jnp.dot(x_ref[...], w_ref[...],
                         preferred_element_type=jnp.float32)


def _matmul_halves(x, W):
    BN = 1000
    return pl.pallas_call(
        _mm_body,
        grid=(2, N_NODES // BN),
        in_specs=[
            pl.BlockSpec((BN, D_IN), lambda c, i: (i, 0)),
            pl.BlockSpec((D_IN, HALF), lambda c, i: (0, c)),
        ],
        out_specs=pl.BlockSpec((BN, HALF), lambda c, i: (c * (N_NODES // BN) + i, 0)),
        out_shape=jax.ShapeDtypeStruct((2 * N_NODES, HALF), jnp.float32),
    )(x, W)


def _sc_aggregate(h2, src2, dst_r):
    mesh = plsc.VectorSubcoreMesh(core_axis_name="c", subcore_axis_name="s")

    @functools.partial(
        pl.kernel,
        mesh=mesh,
        out_type=jax.ShapeDtypeStruct((N_NODES, D_OUT), jnp.float32),
        scratch_types=[
            pltpu.VMEM((E_TILE_P,), jnp.int32),
            pltpu.VMEM((N_CHUNKS, K), jnp.int32),
            pltpu.VMEM((K, HALF), jnp.float32),
            pltpu.VMEM((K, HALF), jnp.float32),
            pltpu.VMEM_SHARED((ACC_ROWS, HALF), jnp.float32),
            pltpu.SemaphoreType.DMA,
        ],
    )
    def agg(h2_hbm, src2_hbm, dst_hbm, out_hbm,
            src_v, dst_v, db0, db1, acc, gsem):
        c = lax.axis_index("c")
        s = lax.axis_index("s")

        with jax.named_scope("stage"):
            z16 = jnp.zeros((16,), jnp.float32)

            def zrow(r, carry):
                for q in range(HALF // 16):
                    db0[r, pl.ds(q * 16, 16)] = z16
                return carry

            lax.fori_loop(0, K, zrow, 0)
            for k in range(ROWS_TILE // K):
                pltpu.sync_copy(db0,
                                acc.at[pl.ds(s * ROWS_TILE + k * K, K)])
            rem = ROWS_TILE % K
            pltpu.sync_copy(
                db0.at[pl.ds(0, rem)],
                acc.at[pl.ds(s * ROWS_TILE + ROWS_TILE - rem, rem)])
            pltpu.sync_copy(
                src2_hbm.at[pl.ds((c * N_TILES + s) * E_TILE_P, E_TILE_P)],
                src_v)
            pltpu.sync_copy(dst_hbm.at[s], dst_v)
            plsc.subcore_barrier()

        def start_gather(j, db):
            pltpu.async_copy(h2_hbm.at[src_v.at[pl.ds(j * K, K)]], db, gsem)

        def wait_gather(j, db):
            pltpu.make_async_copy(h2_hbm.at[src_v.at[pl.ds(j * K, K)]], db,
                                  gsem).wait()

        def scatter_add(j, db):
            pltpu.sync_copy(db, acc.at[dst_v.at[j]], add=True)

        start_gather(0, db0)

        def body(i, carry):
            j = 2 * i
            start_gather(j + 1, db1)
            wait_gather(j, db0)
            scatter_add(j, db0)
            start_gather(j + 2, db0)
            wait_gather(j + 1, db1)
            scatter_add(j + 1, db1)
            return carry

        lax.fori_loop(0, (N_CHUNKS - 1) // 2, body, 0)

        wait_gather(N_CHUNKS - 1, db0)
        scatter_add(N_CHUNKS - 1, db0)

        with jax.named_scope("copy_out"):
            plsc.subcore_barrier()
            col = pl.multiple_of(c * HALF, HALF)
            pltpu.sync_copy(
                acc.at[pl.ds(s * OUT_TILE, OUT_TILE)],
                out_hbm.at[pl.ds(s * OUT_TILE, OUT_TILE), pl.ds(col, HALF)])

            @pl.when(s == N_TILES - 1)
            def _():
                base = N_TILES * OUT_TILE
                pltpu.sync_copy(
                    acc.at[pl.ds(base, N_NODES - base)],
                    out_hbm.at[pl.ds(base, N_NODES - base), pl.ds(col, HALF)])

    return agg(h2, src2, dst_r)


def kernel(x, edge_index, W):
    src = edge_index[0].astype(jnp.int32)
    dst = edge_index[1].astype(jnp.int32)

    h2 = _matmul_halves(x, W)

    srcp = jnp.pad(src.reshape(N_TILES, E_TILE), ((0, 0), (0, E_PAD)),
                   constant_values=0)
    dstp = jnp.pad(dst.reshape(N_TILES, E_TILE), ((0, 0), (0, E_PAD)),
                   constant_values=DUMMY_ROW)
    src2 = jnp.stack([srcp, srcp + N_NODES]).reshape(-1)
    dst_r = dstp.reshape(N_TILES, N_CHUNKS, K)

    return _sc_aggregate(h2, src2, dst_r)

# --- scband reference (transcript-rebuilt; emitter-appended) ---
"""Pipeline reference for scband-example-conv2-28776280883926 (READ-ONLY COPY).

The authoritative reference and input builder live on the scoring server;
editing this copy changes nothing except your own understanding.
"""

import jax, jax.numpy as jnp
import numpy as np

N_NODES = 10000
D_IN = 256
D_OUT = 256
N_EDGES = 160000

def setup_inputs(seed: int = 0) -> dict:
    key = jax.random.key(seed)
    k_x, k_e, k_w = jax.random.split(key, 3)
    x = jax.random.normal(k_x, (N_NODES, D_IN), dtype=jnp.float32)
    edge_index = jax.random.randint(k_e, (2, N_EDGES), 0, N_NODES, dtype=jnp.int64)
    # glorot init of weight [in_channels, out_channels]
    limit = float(np.sqrt(6.0 / (D_IN + D_OUT)))
    W = jax.random.uniform(k_w, (D_IN, D_OUT), dtype=jnp.float32, minval=-limit, maxval=limit)
    return {"x": x, "edge_index": edge_index, "W": W}

def reference(x, edge_index, W):
    # x' = x @ W
    h = jnp.matmul(x, W)
    # message: x_j = h[src]; aggregate 'add' at dst
    src = edge_index[0]
    dst = edge_index[1]
    msgs = jnp.take(h, src, axis=0)
    out = jax.ops.segment_sum(msgs, dst, num_segments=N_NODES)
    # bias=False in ExampleConv2, so no bias add
    return out

if __name__ == "__main__":
    import jax
    _d = setup_inputs()
    print(jax.jit(kernel)(*tuple(_d.values())))

</pallas_src>

<mosaic_0001>
#map = affine_map<(d0, d1) -> (0, 0)>
#map1 = affine_map<(d0, d1) -> (0)>
#map2 = affine_map<(d0, d1) -> (0, 0, 0)>
module attributes {stable_mosaic.version = 14 : i64} {
  func.func @agg(%arg0: i32, %arg1: i32, %arg2: memref<20000x128xf32, #tpu.memory_space<hbm>>, %arg3: memref<322560xi32, #tpu.memory_space<hbm>>, %arg4: memref<16x105x96xi32, #tpu.memory_space<hbm>>, %arg5: memref<10000x256xf32, #tpu.memory_space<hbm>>, %arg6: memref<10080xi32, #tpu.memory_space<vmem>>, %arg7: memref<105x96xi32, #tpu.memory_space<vmem>>, %arg8: memref<96x128xf32, #tpu.memory_space<vmem>>, %arg9: memref<96x128xf32, #tpu.memory_space<vmem>>, %arg10: memref<10112x128xf32, #tpu.memory_space<vmem_shared>>, %arg11: memref<!tpu.dma_semaphore, #tpu.memory_space<semaphore_mem>>) attributes {dimension_semantics = [#tpu.dimension_semantics<core_parallel>, #tpu.dimension_semantics<subcore_parallel>], iteration_bounds = array<i64: 2, 16>, scalar_prefetch = 0 : i64, scratch_operands = 6 : i64, tpu.core_type = #tpu.core_type<sc_vector_subcore>, window_params = [{transform_indices = #map}, {transform_indices = #map1}, {transform_indices = #map2}, {transform_indices = #map}]} {
    %broadcast_in_dim3A = arith.constant 0.000000e+00 : f32
    "tpu.trace_start"() <{level = 10 : i32, message = "stage"}> : () -> ()
    %broadcast_in_dim3A_0 = vector.broadcast %broadcast_in_dim3A : f32 to vector<16xf32>
    %scan3A = arith.constant 0 : i32
    %scan3A_1 = arith.constant 0 : i32
    %scan3A_2 = arith.constant 96 : i32
    %scan3A_3 = arith.addi %scan3A_1, %scan3A_2 : i32
    %scan3A_4 = arith.constant 1 : i32
    scf.for %scan3A_61 = %scan3A_1 to %scan3A_3 step %scan3A_4  : i32 {
      %swap3A = arith.index_cast %scan3A_61 : i32 to index
      %swap3A_62 = arith.constant 0 : index
      %swap3A_63 = tpu.vector_load %arg8[%swap3A, %swap3A_62] {strides = array<i32>} : memref<96x128xf32, #tpu.memory_space<vmem>>, vector<1x16xf32>,
      %swap3A_64 = vector.shape_cast %swap3A_63 : vector<1x16xf32> to vector<16xf32>
      %swap3A_65 = vector.shape_cast %broadcast_in_dim3A_0 : vector<16xf32> to vector<1x16xf32>
      tpu.vector_store %arg8[%swap3A, %swap3A_62], %swap3A_65 {strides = array<i32>} : memref<96x128xf32, #tpu.memory_space<vmem>>, vector<1x16xf32>,
      %swap3A_66 = arith.index_cast %scan3A_61 : i32 to index
      %swap3A_67 = arith.constant 16 : index
      %swap3A_68 = tpu.vector_load %arg8[%swap3A_66, %swap3A_67] {strides = array<i32>} : memref<96x128xf32, #tpu.memory_space<vmem>>, vector<1x16xf32>,
      %swap3A_69 = vector.shape_cast %swap3A_68 : vector<1x16xf32> to vector<16xf32>
      %swap3A_70 = vector.shape_cast %broadcast_in_dim3A_0 : vector<16xf32> to vector<1x16xf32>
      tpu.vector_store %arg8[%swap3A_66, %swap3A_67], %swap3A_70 {strides = array<i32>} : memref<96x128xf32, #tpu.memory_space<vmem>>, vector<1x16xf32>,
      %swap3A_71 = arith.index_cast %scan3A_61 : i32 to index
      %swap3A_72 = arith.constant 32 : index
      %swap3A_73 = tpu.vector_load %arg8[%swap3A_71, %swap3A_72] {strides = array<i32>} : memref<96x128xf32, #tpu.memory_space<vmem>>, vector<1x16xf32>,
      %swap3A_74 = vector.shape_cast %swap3A_73 : vector<1x16xf32> to vector<16xf32>
      %swap3A_75 = vector.shape_cast %broadcast_in_dim3A_0 : vector<16xf32> to vector<1x16xf32>
      tpu.vector_store %arg8[%swap3A_71, %swap3A_72], %swap3A_75 {strides = array<i32>} : memref<96x128xf32, #tpu.memory_space<vmem>>, vector<1x16xf32>,
      %swap3A_76 = arith.index_cast %scan3A_61 : i32 to index
      %swap3A_77 = arith.constant 48 : index
      %swap3A_78 = tpu.vector_load %arg8[%swap3A_76, %swap3A_77] {strides = array<i32>} : memref<96x128xf32, #tpu.memory_space<vmem>>, vector<1x16xf32>,
      %swap3A_79 = vector.shape_cast %swap3A_78 : vector<1x16xf32> to vector<16xf32>
      %swap3A_80 = vector.shape_cast %broadcast_in_dim3A_0 : vector<16xf32> to vector<1x16xf32>
      tpu.vector_store %arg8[%swap3A_76, %swap3A_77], %swap3A_80 {strides = array<i32>} : memref<96x128xf32, #tpu.memory_space<vmem>>, vector<1x16xf32>,
      %swap3A_81 = arith.index_cast %scan3A_61 : i32 to index
      %swap3A_82 = arith.constant 64 : index
      %swap3A_83 = tpu.vector_load %arg8[%swap3A_81, %swap3A_82] {strides = array<i32>} : memref<96x128xf32, #tpu.memory_space<vmem>>, vector<1x16xf32>,
      %swap3A_84 = vector.shape_cast %swap3A_83 : vector<1x16xf32> to vector<16xf32>
      %swap3A_85 = vector.shape_cast %broadcast_in_dim3A_0 : vector<16xf32> to vector<1x16xf32>
      tpu.vector_store %arg8[%swap3A_81, %swap3A_82], %swap3A_85 {strides = array<i32>} : memref<96x128xf32, #tpu.memory_space<vmem>>, vector<1x16xf32>,
      %swap3A_86 = arith.index_cast %scan3A_61 : i32 to index
      %swap3A_87 = arith.constant 80 : index
      %swap3A_88 = tpu.vector_load %arg8[%swap3A_86, %swap3A_87] {strides = array<i32>} : memref<96x128xf32, #tpu.memory_space<vmem>>, vector<1x16xf32>,
      %swap3A_89 = vector.shape_cast %swap3A_88 : vector<1x16xf32> to vector<16xf32>
      %swap3A_90 = vector.shape_cast %broadcast_in_dim3A_0 : vector<16xf32> to vector<1x16xf32>
      tpu.vector_store %arg8[%swap3A_86, %swap3A_87], %swap3A_90 {strides = array<i32>} : memref<96x128xf32, #tpu.memory_space<vmem>>, vector<1x16xf32>,
      %swap3A_91 = arith.index_cast %scan3A_61 : i32 to index
      %swap3A_92 = arith.constant 96 : index
      %swap3A_93 = tpu.vector_load %arg8[%swap3A_91, %swap3A_92] {strides = array<i32>} : memref<96x128xf32, #tpu.memory_space<vmem>>, vector<1x16xf32>,
      %swap3A_94 = vector.shape_cast %swap3A_93 : vector<1x16xf32> to vector<16xf32>
      %swap3A_95 = vector.shape_cast %broadcast_in_dim3A_0 : vector<16xf32> to vector<1x16xf32>
      tpu.vector_store %arg8[%swap3A_91, %swap3A_92], %swap3A_95 {strides = array<i32>} : memref<96x128xf32, #tpu.memory_space<vmem>>, vector<1x16xf32>,
      %swap3A_96 = arith.index_cast %scan3A_61 : i32 to index
      %swap3A_97 = arith.constant 112 : index
      %swap3A_98 = tpu.vector_load %arg8[%swap3A_96, %swap3A_97] {strides = array<i32>} : memref<96x128xf32, #tpu.memory_space<vmem>>, vector<1x16xf32>,
      %swap3A_99 = vector.shape_cast %swap3A_98 : vector<1x16xf32> to vector<16xf32>
      %swap3A_100 = vector.shape_cast %broadcast_in_dim3A_0 : vector<16xf32> to vector<1x16xf32>
      tpu.vector_store %arg8[%swap3A_96, %swap3A_97], %swap3A_100 {strides = array<i32>} : memref<96x128xf32, #tpu.memory_space<vmem>>, vector<1x16xf32>,
    }
    %scan3A_5 = arith.constant 96 : i32
    %mul3A = arith.constant 632 : i32
    %mul3A_6 = arith.muli %arg1, %mul3A : i32
    %add3A = arith.constant 0 : i32
    %add3A_7 = arith.addi %mul3A_6, %add3A : i32
    "tpu.region"() ({
      %run_scoped3A_61 = tpu.sem_alloc : memref<!tpu.dma_semaphore, #tpu.memory_space<semaphore_mem>>
      %dma_start3A_62 = arith.constant 0 : i32
      %dma_start3A_63 = tpu.memref_slice %arg10[%add3A_7, %dma_start3A_62] : memref<10112x128xf32, #tpu.memory_space<vmem_shared>> -> memref<96x128xf32, #tpu.memory_space<vmem_shared>>
      %dma_start3A_64 = arith.constant 0 : i32
      %dma_start3A_65 = tpu.memref_slice %arg10[%add3A_7, %dma_start3A_64] : memref<10112x128xf32, #tpu.memory_space<vmem_shared>> -> memref<96x128xf32, #tpu.memory_space<vmem_shared>>
      tpu.enqueue_dma source(%arg8 : memref<96x128xf32, #tpu.memory_space<vmem>>) target(%dma_start3A_65 : memref<96x128xf32, #tpu.memory_space<vmem_shared>>) target_semaphore(%run_scoped3A_61 : memref<!tpu.dma_semaphore, #tpu.memory_space<semaphore_mem>>)
      %dma_wait3A_66 = arith.constant 0 : i32
      %dma_wait3A_67 = tpu.memref_slice %arg10[%add3A_7, %dma_wait3A_66] : memref<10112x128xf32, #tpu.memory_space<vmem_shared>> -> memref<96x128xf32, #tpu.memory_space<vmem_shared>>
      %dma_wait3A_68 = arith.constant 0 : i32
      %dma_wait3A_69 = tpu.memref_slice %arg10[%add3A_7, %dma_wait3A_68] : memref<10112x128xf32, #tpu.memory_space<vmem_shared>> -> memref<96x128xf32, #tpu.memory_space<vmem_shared>>
      tpu.wait_dma2 semaphore(%run_scoped3A_61 : memref<!tpu.dma_semaphore, #tpu.memory_space<semaphore_mem>>) src(%arg8 : memref<96x128xf32, #tpu.memory_space<vmem>>) dst(%dma_wait3A_69 : memref<96x128xf32, #tpu.memory_space<vmem_shared>>)
      tpu.yield
    }) : () -> ()
    %mul3A_8 = arith.constant 632 : i32
    %mul3A_9 = arith.muli %arg1, %mul3A_8 : i32
    %add3A_10 = arith.constant 96 : i32
    %add3A_11 = arith.addi %mul3A_9, %add3A_10 : i32
    "tpu.region"() ({
      %run_scoped3A_61 = tpu.sem_alloc : memref<!tpu.dma_semaphore, #tpu.memory_space<semaphore_mem>>
      %dma_start3A_62 = arith.constant 0 : i32
      %dma_start3A_63 = tpu.memref_slice %arg10[%add3A_11, %dma_start3A_62] : memref<10112x128xf32, #tpu.memory_space<vmem_shared>> -> memref<96x128xf32, #tpu.memory_space<vmem_shared>>
      %dma_start3A_64 = arith.constant 0 : i32
      %dma_start3A_65 = tpu.memref_slice %arg10[%add3A_11, %dma_start3A_64] : memref<10112x128xf32, #tpu.memory_space<vmem_shared>> -> memref<96x128xf32, #tpu.memory_space<vmem_shared>>
      tpu.enqueue_dma source(%arg8 : memref<96x128xf32, #tpu.memory_space<vmem>>) target(%dma_start3A_65 : memref<96x128xf32, #tpu.memory_space<vmem_shared>>) target_semaphore(%run_scoped3A_61 : memref<!tpu.dma_semaphore, #tpu.memory_space<semaphore_mem>>)
      %dma_wait3A_66 = arith.constant 0 : i32
      %dma_wait3A_67 = tpu.memref_slice %arg10[%add3A_11, %dma_wait3A_66] : memref<10112x128xf32, #tpu.memory_space<vmem_shared>> -> memref<96x128xf32, #tpu.memory_space<vmem_shared>>
      %dma_wait3A_68 = arith.constant 0 : i32
      %dma_wait3A_69 = tpu.memref_slice %arg10[%add3A_11, %dma_wait3A_68] : memref<10112x128xf32, #tpu.memory_space<vmem_shared>> -> memref<96x128xf32, #tpu.memory_space<vmem_shared>>
      tpu.wait_dma2 semaphore(%run_scoped3A_61 : memref<!tpu.dma_semaphore, #tpu.memory_space<semaphore_mem>>) src(%arg8 : memref<96x128xf32, #tpu.memory_space<vmem>>) dst(%dma_wait3A_69 : memref<96x128xf32, #tpu.memory_space<vmem_shared>>)
      tpu.yield
    }) : () -> ()
    %mul3A_12 = arith.constant 632 : i32
    %mul3A_13 = arith.muli %arg1, %mul3A_12 : i32
    %add3A_14 = arith.constant 192 : i32
    %add3A_15 = arith.addi %mul3A_13, %add3A_14 : i32
    "tpu.region"() ({
      %run_scoped3A_61 = tpu.sem_alloc : memref<!tpu.dma_semaphore, #tpu.memory_space<semaphore_mem>>
      %dma_start3A_62 = arith.constant 0 : i32
      %dma_start3A_63 = tpu.memref_slice %arg10[%add3A_15, %dma_start3A_62] : memref<10112x128xf32, #tpu.memory_space<vmem_shared>> -> memref<96x128xf32, #tpu.memory_space<vmem_shared>>
      %dma_start3A_64 = arith.constant 0 : i32
      %dma_start3A_65 = tpu.memref_slice %arg10[%add3A_15, %dma_start3A_64] : memref<10112x128xf32, #tpu.memory_space<vmem_shared>> -> memref<96x128xf32, #tpu.memory_space<vmem_shared>>
      tpu.enqueue_dma source(%arg8 : memref<96x128xf32, #tpu.memory_space<vmem>>) target(%dma_start3A_65 : memref<96x128xf32, #tpu.memory_space<vmem_shared>>) target_semaphore(%run_scoped3A_61 : memref<!tpu.dma_semaphore, #tpu.memory_space<semaphore_mem>>)
      %dma_wait3A_66 = arith.constant 0 : i32
      %dma_wait3A_67 = tpu.memref_slice %arg10[%add3A_15, %dma_wait3A_66] : memref<10112x128xf32, #tpu.memory_space<vmem_shared>> -> memref<96x128xf32, #tpu.memory_space<vmem_shared>>
      %dma_wait3A_68 = arith.constant 0 : i32
      %dma_wait3A_69 = tpu.memref_slice %arg10[%add3A_15, %dma_wait3A_68] : memref<10112x128xf32, #tpu.memory_space<vmem_shared>> -> memref<96x128xf32, #tpu.memory_space<vmem_shared>>
      tpu.wait_dma2 semaphore(%run_scoped3A_61 : memref<!tpu.dma_semaphore, #tpu.memory_space<semaphore_mem>>) src(%arg8 : memref<96x128xf32, #tpu.memory_space<vmem>>) dst(%dma_wait3A_69 : memref<96x128xf32, #tpu.memory_space<vmem_shared>>)
      tpu.yield
    }) : () -> ()
    %mul3A_16 = arith.constant 632 : i32
    %mul3A_17 = arith.muli %arg1, %mul3A_16 : i32
    %add3A_18 = arith.constant 288 : i32
    %add3A_19 = arith.addi %mul3A_17, %add3A_18 : i32
    "tpu.region"() ({
      %run_scoped3A_61 = tpu.sem_alloc : memref<!tpu.dma_semaphore, #tpu.memory_space<semaphore_mem>>
      %dma_start3A_62 = arith.constant 0 : i32
      %dma_start3A_63 = tpu.memref_slice %arg10[%add3A_19, %dma_start3A_62] : memref<10112x128xf32, #tpu.memory_space<vmem_shared>> -> memref<96x128xf32, #tpu.memory_space<vmem_shared>>
      %dma_start3A_64 = arith.constant 0 : i32
      %dma_start3A_65 = tpu.memref_slice %arg10[%add3A_19, %dma_start3A_64] : memref<10112x128xf32, #tpu.memory_space<vmem_shared>> -> memref<96x128xf32, #tpu.memory_space<vmem_shared>>
      tpu.enqueue_dma source(%arg8 : memref<96x128xf32, #tpu.memory_space<vmem>>) target(%dma_start3A_65 : memref<96x128xf32, #tpu.memory_space<vmem_shared>>) target_semaphore(%run_scoped3A_61 : memref<!tpu.dma_semaphore, #tpu.memory_space<semaphore_mem>>)
      %dma_wait3A_66 = arith.constant 0 : i32
      %dma_wait3A_67 = tpu.memref_slice %arg10[%add3A_19, %dma_wait3A_66] : memref<10112x128xf32, #tpu.memory_space<vmem_shared>> -> memref<96x128xf32, #tpu.memory_space<vmem_shared>>
      %dma_wait3A_68 = arith.constant 0 : i32
      %dma_wait3A_69 = tpu.memref_slice %arg10[%add3A_19, %dma_wait3A_68] : memref<10112x128xf32, #tpu.memory_space<vmem_shared>> -> memref<96x128xf32, #tpu.memory_space<vmem_shared>>
      tpu.wait_dma2 semaphore(%run_scoped3A_61 : memref<!tpu.dma_semaphore, #tpu.memory_space<semaphore_mem>>) src(%arg8 : memref<96x128xf32, #tpu.memory_space<vmem>>) dst(%dma_wait3A_69 : memref<96x128xf32, #tpu.memory_space<vmem_shared>>)
      tpu.yield
    }) : () -> ()
    %mul3A_20 = arith.constant 632 : i32
    %mul3A_21 = arith.muli %arg1, %mul3A_20 : i32
    %add3A_22 = arith.constant 384 : i32
    %add3A_23 = arith.addi %mul3A_21, %add3A_22 : i32
    "tpu.region"() ({
      %run_scoped3A_61 = tpu.sem_alloc : memref<!tpu.dma_semaphore, #tpu.memory_space<semaphore_mem>>
      %dma_start3A_62 = arith.constant 0 : i32
      %dma_start3A_63 = tpu.memref_slice %arg10[%add3A_23, %dma_start3A_62] : memref<10112x128xf32, #tpu.memory_space<vmem_shared>> -> memref<96x128xf32, #tpu.memory_space<vmem_shared>>
      %dma_start3A_64 = arith.constant 0 : i32
      %dma_start3A_65 = tpu.memref_slice %arg10[%add3A_23, %dma_start3A_64] : memref<10112x128xf32, #tpu.memory_space<vmem_shared>> -> memref<96x128xf32, #tpu.memory_space<vmem_shared>>
      tpu.enqueue_dma source(%arg8 : memref<96x128xf32, #tpu.memory_space<vmem>>) target(%dma_start3A_65 : memref<96x128xf32, #tpu.memory_space<vmem_shared>>) target_semaphore(%run_scoped3A_61 : memref<!tpu.dma_semaphore, #tpu.memory_space<semaphore_mem>>)
      %dma_wait3A_66 = arith.constant 0 : i32
      %dma_wait3A_67 = tpu.memref_slice %arg10[%add3A_23, %dma_wait3A_66] : memref<10112x128xf32, #tpu.memory_space<vmem_shared>> -> memref<96x128xf32, #tpu.memory_space<vmem_shared>>
      %dma_wait3A_68 = arith.constant 0 : i32
      %dma_wait3A_69 = tpu.memref_slice %arg10[%add3A_23, %dma_wait3A_68] : memref<10112x128xf32, #tpu.memory_space<vmem_shared>> -> memref<96x128xf32, #tpu.memory_space<vmem_shared>>
      tpu.wait_dma2 semaphore(%run_scoped3A_61 : memref<!tpu.dma_semaphore, #tpu.memory_space<semaphore_mem>>) src(%arg8 : memref<96x128xf32, #tpu.memory_space<vmem>>) dst(%dma_wait3A_69 : memref<96x128xf32, #tpu.memory_space<vmem_shared>>)
      tpu.yield
    }) : () -> ()
    %mul3A_24 = arith.constant 632 : i32
    %mul3A_25 = arith.muli %arg1, %mul3A_24 : i32
    %add3A_26 = arith.constant 480 : i32
    %add3A_27 = arith.addi %mul3A_25, %add3A_26 : i32
    "tpu.region"() ({
      %run_scoped3A_61 = tpu.sem_alloc : memref<!tpu.dma_semaphore, #tpu.memory_space<semaphore_mem>>
      %dma_start3A_62 = arith.constant 0 : i32
      %dma_start3A_63 = tpu.memref_slice %arg10[%add3A_27, %dma_start3A_62] : memref<10112x128xf32, #tpu.memory_space<vmem_shared>> -> memref<96x128xf32, #tpu.memory_space<vmem_shared>>
      %dma_start3A_64 = arith.constant 0 : i32
      %dma_start3A_65 = tpu.memref_slice %arg10[%add3A_27, %dma_start3A_64] : memref<10112x128xf32, #tpu.memory_space<vmem_shared>> -> memref<96x128xf32, #tpu.memory_space<vmem_shared>>
      tpu.enqueue_dma source(%arg8 : memref<96x128xf32, #tpu.memory_space<vmem>>) target(%dma_start3A_65 : memref<96x128xf32, #tpu.memory_space<vmem_shared>>) target_semaphore(%run_scoped3A_61 : memref<!tpu.dma_semaphore, #tpu.memory_space<semaphore_mem>>)
      %dma_wait3A_66 = arith.constant 0 : i32
      %dma_wait3A_67 = tpu.memref_slice %arg10[%add3A_27, %dma_wait3A_66] : memref<10112x128xf32, #tpu.memory_space<vmem_shared>> -> memref<96x128xf32, #tpu.memory_space<vmem_shared>>
      %dma_wait3A_68 = arith.constant 0 : i32
      %dma_wait3A_69 = tpu.memref_slice %arg10[%add3A_27, %dma_wait3A_68] : memref<10112x128xf32, #tpu.memory_space<vmem_shared>> -> memref<96x128xf32, #tpu.memory_space<vmem_shared>>
      tpu.wait_dma2 semaphore(%run_scoped3A_61 : memref<!tpu.dma_semaphore, #tpu.memory_space<semaphore_mem>>) src(%arg8 : memref<96x128xf32, #tpu.memory_space<vmem>>) dst(%dma_wait3A_69 : memref<96x128xf32, #tpu.memory_space<vmem_shared>>)
      tpu.yield
    }) : () -> ()
    %mul3A_28 = arith.constant 632 : i32
    %mul3A_29 = arith.muli %arg1, %mul3A_28 : i32
    %add3A_30 = arith.constant 632 : i32
    %add3A_31 = arith.addi %mul3A_29, %add3A_30 : i32
    %sub3A = arith.constant 56 : i32
    %sub3A_32 = arith.subi %add3A_31, %sub3A : i32
    "tpu.region"() ({
      %run_scoped3A_61 = tpu.sem_alloc : memref<!tpu.dma_semaphore, #tpu.memory_space<semaphore_mem>>
      %dma_start3A_62 = arith.constant 0 : i32
      %dma_start3A_63 = arith.constant 0 : i32
      %dma_start3A_64 = tpu.memref_slice %arg8[%dma_start3A_62, %dma_start3A_63] : memref<96x128xf32, #tpu.memory_space<vmem>> -> memref<56x128xf32, #tpu.memory_space<vmem>>
      %dma_start3A_65 = arith.constant 0 : i32
      %dma_start3A_66 = tpu.memref_slice %arg10[%sub3A_32, %dma_start3A_65] : memref<10112x128xf32, #tpu.memory_space<vmem_shared>> -> memref<56x128xf32, #tpu.memory_space<vmem_shared>>
      %dma_start3A_67 = arith.constant 0 : i32
      %dma_start3A_68 = tpu.memref_slice %arg10[%sub3A_32, %dma_start3A_67] : memref<10112x128xf32, #tpu.memory_space<vmem_shared>> -> memref<56x128xf32, #tpu.memory_space<vmem_shared>>
      %dma_start3A_69 = arith.constant 0 : i32
      %dma_start3A_70 = arith.constant 0 : i32
      %dma_start3A_71 = tpu.memref_slice %arg8[%dma_start3A_69, %dma_start3A_70] : memref<96x128xf32, #tpu.memory_space<vmem>> -> memref<56x128xf32, #tpu.memory_space<vmem>>
      tpu.enqueue_dma source(%dma_start3A_71 : memref<56x128xf32, #tpu.memory_space<vmem>>) target(%dma_start3A_68 : memref<56x128xf32, #tpu.memory_space<vmem_shared>>) target_semaphore(%run_scoped3A_61 : memref<!tpu.dma_semaphore, #tpu.memory_space<semaphore_mem>>)
      %dma_wait3A_72 = arith.constant 0 : i32
      %dma_wait3A_73 = arith.constant 0 : i32
      %dma_wait3A_74 = tpu.memref_slice %arg8[%dma_wait3A_72, %dma_wait3A_73] : memref<96x128xf32, #tpu.memory_space<vmem>> -> memref<56x128xf32, #tpu.memory_space<vmem>>
      %dma_wait3A_75 = arith.constant 0 : i32
      %dma_wait3A_76 = tpu.memref_slice %arg10[%sub3A_32, %dma_wait3A_75] : memref<10112x128xf32, #tpu.memory_space<vmem_shared>> -> memref<56x128xf32, #tpu.memory_space<vmem_shared>>
      %dma_wait3A_77 = arith.constant 0 : i32
      %dma_wait3A_78 = tpu.memref_slice %arg10[%sub3A_32, %dma_wait3A_77] : memref<10112x128xf32, #tpu.memory_space<vmem_shared>> -> memref<56x128xf32, #tpu.memory_space<vmem_shared>>
      %dma_wait3A_79 = arith.constant 0 : i32
      %dma_wait3A_80 = arith.constant 0 : i32
      %dma_wait3A_81 = tpu.memref_slice %arg8[%dma_wait3A_79, %dma_wait3A_80] : memref<96x128xf32, #tpu.memory_space<vmem>> -> memref<56x128xf32, #tpu.memory_space<vmem>>
      tpu.wait_dma2 semaphore(%run_scoped3A_61 : memref<!tpu.dma_semaphore, #tpu.memory_space<semaphore_mem>>) src(%dma_wait3A_81 : memref<56x128xf32, #tpu.memory_space<vmem>>) dst(%dma_wait3A_78 : memref<56x128xf32, #tpu.memory_space<vmem_shared>>)
      tpu.yield
    }) : () -> ()
    %mul3A_33 = arith.constant 16 : i32
    %mul3A_34 = arith.muli %arg0, %mul3A_33 : i32
    %add3A_35 = arith.addi %mul3A_34, %arg1 : i32
    %mul3A_36 = arith.constant 10080 : i32
    %mul3A_37 = arith.muli %add3A_35, %mul3A_36 : i32
    "tpu.region"() ({
      %run_scoped3A_61 = tpu.sem_alloc : memref<!tpu.dma_semaphore, #tpu.memory_space<semaphore_mem>>
      %dma_start3A_62 = tpu.memref_slice %arg3[%mul3A_37] : memref<322560xi32, #tpu.memory_space<hbm>> -> memref<10080xi32, #tpu.memory_space<hbm>>
      %dma_start3A_63 = tpu.memref_slice %arg3[%mul3A_37] : memref<322560xi32, #tpu.memory_space<hbm>> -> memref<10080xi32, #tpu.memory_space<hbm>>
      tpu.enqueue_dma source(%dma_start3A_63 : memref<10080xi32, #tpu.memory_space<hbm>>) target(%arg6 : memref<10080xi32, #tpu.memory_space<vmem>>) target_semaphore(%run_scoped3A_61 : memref<!tpu.dma_semaphore, #tpu.memory_space<semaphore_mem>>)
      %dma_wait3A_64 = tpu.memref_slice %arg3[%mul3A_37] : memref<322560xi32, #tpu.memory_space<hbm>> -> memref<10080xi32, #tpu.memory_space<hbm>>
      %dma_wait3A_65 = tpu.memref_slice %arg3[%mul3A_37] : memref<322560xi32, #tpu.memory_space<hbm>> -> memref<10080xi32, #tpu.memory_space<hbm>>
      tpu.wait_dma2 semaphore(%run_scoped3A_61 : memref<!tpu.dma_semaphore, #tpu.memory_space<semaphore_mem>>) src(%dma_wait3A_65 : memref<10080xi32, #tpu.memory_space<hbm>>) dst(%arg6 : memref<10080xi32, #tpu.memory_space<vmem>>)
      tpu.yield
    }) : () -> ()
    "tpu.region"() ({
      %run_scoped3A_61 = tpu.sem_alloc : memref<!tpu.dma_semaphore, #tpu.memory_space<semaphore_mem>>
      %dma_start3A_62 = arith.constant 0 : i32
      %dma_start3A_63 = arith.constant 0 : i32
      %dma_start3A_64 = tpu.memref_slice %arg4[%arg1, %dma_start3A_62, %dma_start3A_63] : memref<16x105x96xi32, #tpu.memory_space<hbm>> -> memref<1x105x96xi32, #tpu.memory_space<hbm>>
      %dma_start3A_65 = tpu.memref_squeeze %dma_start3A_64 : memref<1x105x96xi32, #tpu.memory_space<hbm>> -> memref<105x96xi32, #tpu.memory_space<hbm>>
      %dma_start3A_66 = arith.constant 0 : i32
      %dma_start3A_67 = arith.constant 0 : i32
      %dma_start3A_68 = tpu.memref_slice %arg4[%arg1, %dma_start3A_66, %dma_start3A_67] : memref<16x105x96xi32, #tpu.memory_space<hbm>> -> memref<1x105x96xi32, #tpu.memory_space<hbm>>
      %dma_start3A_69 = tpu.memref_squeeze %dma_start3A_68 : memref<1x105x96xi32, #tpu.memory_space<hbm>> -> memref<105x96xi32, #tpu.memory_space<hbm>>
      tpu.enqueue_dma source(%dma_start3A_69 : memref<105x96xi32, #tpu.memory_space<hbm>>) target(%arg7 : memref<105x96xi32, #tpu.memory_space<vmem>>) target_semaphore(%run_scoped3A_61 : memref<!tpu.dma_semaphore, #tpu.memory_space<semaphore_mem>>)
      %dma_wait3A_70 = arith.constant 0 : i32
      %dma_wait3A_71 = arith.constant 0 : i32
      %dma_wait3A_72 = tpu.memref_slice %arg4[%arg1, %dma_wait3A_70, %dma_wait3A_71] : memref<16x105x96xi32, #tpu.memory_space<hbm>> -> memref<1x105x96xi32, #tpu.memory_space<hbm>>
      %dma_wait3A_73 = tpu.memref_squeeze %dma_wait3A_72 : memref<1x105x96xi32, #tpu.memory_space<hbm>> -> memref<105x96xi32, #tpu.memory_space<hbm>>
      %dma_wait3A_74 = arith.constant 0 : i32
      %dma_wait3A_75 = arith.constant 0 : i32
      %dma_wait3A_76 = tpu.memref_slice %arg4[%arg1, %dma_wait3A_74, %dma_wait3A_75] : memref<16x105x96xi32, #tpu.memory_space<hbm>> -> memref<1x105x96xi32, #tpu.memory_space<hbm>>
      %dma_wait3A_77 = tpu.memref_squeeze %dma_wait3A_76 : memref<1x105x96xi32, #tpu.memory_space<hbm>> -> memref<105x96xi32, #tpu.memory_space<hbm>>
      tpu.wait_dma2 semaphore(%run_scoped3A_61 : memref<!tpu.dma_semaphore, #tpu.memory_space<semaphore_mem>>) src(%dma_wait3A_77 : memref<105x96xi32, #tpu.memory_space<hbm>>) dst(%arg7 : memref<105x96xi32, #tpu.memory_space<vmem>>)
      tpu.yield
    }) : () -> ()
    %barrier3A = arith.constant 0 : index
    tpu.barrier barrier_id(%barrier3A)
    "tpu.trace_stop"() : () -> ()
    %dma_start3A = arith.constant 0 : i32
    %dma_start3A_38 = tpu.memref_slice %arg6[%dma_start3A] : memref<10080xi32, #tpu.memory_space<vmem>> -> memref<96xi32, #tpu.memory_space<vmem>>
    %dma_start3A_39 = arith.constant 0 : i32
    %dma_start3A_40 = arith.constant 0 : i32
    %dma_start3A_41 = tpu.memref_slice %arg2[%dma_start3A_39, %dma_start3A_40] : memref<20000x128xf32, #tpu.memory_space<hbm>> -> memref<20000x128xf32, #tpu.memory_space<hbm>>
    tpu.enqueue_indirect_dma source(%dma_start3A_41 : memref<20000x128xf32, #tpu.memory_space<hbm>>) target(%arg8 : memref<96x128xf32, #tpu.memory_space<vmem>>) offsets(%dma_start3A_38 : memref<96xi32, #tpu.memory_space<vmem>>) semaphore(%arg11 : memref<!tpu.dma_semaphore, #tpu.memory_space<semaphore_mem>>)
    %scan3A_42 = arith.constant 0 : i32
    %scan3A_43 = arith.constant 0 : i32
    %scan3A_44 = arith.constant 52 : i32
    %scan3A_45 = arith.addi %scan3A_43, %scan3A_44 : i32
    %scan3A_46 = arith.constant 1 : i32
    scf.for %scan3A_61 = %scan3A_43 to %scan3A_45 step %scan3A_46  : i32 {
      %mul3A_62 = arith.constant 2 : i32
      %mul3A_63 = arith.muli %mul3A_62, %scan3A_61 : i32
      %add3A_64 = arith.constant 1 : i32
      %add3A_65 = arith.addi %mul3A_63, %add3A_64 : i32
      %mul3A_66 = arith.constant 96 : i32
      %mul3A_67 = arith.muli %add3A_65, %mul3A_66 : i32
      %dma_start3A_68 = tpu.memref_slice %arg6[%mul3A_67] : memref<10080xi32, #tpu.memory_space<vmem>> -> memref<96xi32, #tpu.memory_space<vmem>>
      %dma_start3A_69 = arith.constant 0 : i32
      %dma_start3A_70 = arith.constant 0 : i32
      %dma_start3A_71 = tpu.memref_slice %arg2[%dma_start3A_69, %dma_start3A_70] : memref<20000x128xf32, #tpu.memory_space<hbm>> -> memref<20000x128xf32, #tpu.memory_space<hbm>>
      tpu.enqueue_indirect_dma source(%dma_start3A_71 : memref<20000x128xf32, #tpu.memory_space<hbm>>) target(%arg9 : memref<96x128xf32, #tpu.memory_space<vmem>>) offsets(%dma_start3A_68 : memref<96xi32, #tpu.memory_space<vmem>>) semaphore(%arg11 : memref<!tpu.dma_semaphore, #tpu.memory_space<semaphore_mem>>)
      %mul3A_72 = arith.constant 96 : i32
      %mul3A_73 = arith.muli %mul3A_63, %mul3A_72 : i32
      %dma_wait3A_74 = tpu.memref_slice %arg6[%mul3A_73] : memref<10080xi32, #tpu.memory_space<vmem>> -> memref<96xi32, #tpu.memory_space<vmem>>
      %dma_wait3A_75 = arith.constant 0 : i32
      %dma_wait3A_76 = arith.constant 0 : i32
      %dma_wait3A_77 = tpu.memref_slice %arg2[%dma_wait3A_75, %dma_wait3A_76] : memref<20000x128xf32, #tpu.memory_space<hbm>> -> memref<20000x128xf32, #tpu.memory_space<hbm>>
      tpu.wait_indirect_dma semaphore(%arg11 : memref<!tpu.dma_semaphore, #tpu.memory_space<semaphore_mem>>) src(%dma_wait3A_77 : memref<20000x128xf32, #tpu.memory_space<hbm>>) dst(%arg8 : memref<96x128xf32, #tpu.memory_space<vmem>>)
      "tpu.region"() ({
        %run_scoped3A_96 = tpu.sem_alloc : memref<!tpu.dma_semaphore, #tpu.memory_space<semaphore_mem>>
        %dma_start3A_97 = arith.constant 0 : i32
        %dma_start3A_98 = tpu.memref_slice %arg7[%mul3A_63, %dma_start3A_97] : memref<105x96xi32, #tpu.memory_space<vmem>> -> memref<1x96xi32, #tpu.memory_space<vmem>>
        %dma_start3A_99 = tpu.memref_squeeze %dma_start3A_98 : memref<1x96xi32, #tpu.memory_space<vmem>> -> memref<96xi32, #tpu.memory_space<vmem>>
        %dma_start3A_100 = arith.constant 0 : i32
        %dma_start3A_101 = arith.constant 0 : i32
        %dma_start3A_102 = tpu.memref_slice %arg10[%dma_start3A_100, %dma_start3A_101] : memref<10112x128xf32, #tpu.memory_space<vmem_shared>> -> memref<10112x128xf32, #tpu.memory_space<vmem_shared>>
        tpu.enqueue_indirect_dma source(%arg8 : memref<96x128xf32, #tpu.memory_space<vmem>>) target(%dma_start3A_102 : memref<10112x128xf32, #tpu.memory_space<vmem_shared>>) offsets(%dma_start3A_99 : memref<96xi32, #tpu.memory_space<vmem>>) semaphore(%run_scoped3A_96 : memref<!tpu.dma_semaphore, #tpu.memory_space<semaphore_mem>>) {add = true}
        %dma_wait3A_103 = arith.constant 0 : i32
        %dma_wait3A_104 = tpu.memref_slice %arg7[%mul3A_63, %dma_wait3A_103] : memref<105x96xi32, #tpu.memory_space<vmem>> -> memref<1x96xi32, #tpu.memory_space<vmem>>
        %dma_wait3A_105 = tpu.memref_squeeze %dma_wait3A_104 : memref<1x96xi32, #tpu.memory_space<vmem>> -> memref<96xi32, #tpu.memory_space<vmem>>
        %dma_wait3A_106 = arith.constant 0 : i32
        %dma_wait3A_107 = arith.constant 0 : i32
        %dma_wait3A_108 = tpu.memref_slice %arg10[%dma_wait3A_106, %dma_wait3A_107] : memref<10112x128xf32, #tpu.memory_space<vmem_shared>> -> memref<10112x128xf32, #tpu.memory_space<vmem_shared>>
        tpu.wait_indirect_dma semaphore(%run_scoped3A_96 : memref<!tpu.dma_semaphore, #tpu.memory_space<semaphore_mem>>) src(%arg8 : memref<96x128xf32, #tpu.memory_space<vmem>>) dst(%dma_wait3A_108 : memref<10112x128xf32, #tpu.memory_space<vmem_shared>>)
        tpu.yield
      }) : () -> ()
      %add3A_78 = arith.constant 2 : i32
      %add3A_79 = arith.addi %mul3A_63, %add3A_78 : i32
      %mul3A_80 = arith.constant 96 : i32
      %mul3A_81 = arith.muli %add3A_79, %mul3A_80 : i32
      %dma_start3A_82 = tpu.memref_slice %arg6[%mul3A_81] : memref<10080xi32, #tpu.memory_space<vmem>> -> memref<96xi32, #tpu.memory_space<vmem>>
      %dma_start3A_83 = arith.constant 0 : i32
      %dma_start3A_84 = arith.constant 0 : i32
      %dma_start3A_85 = tpu.memref_slice %arg2[%dma_start3A_83, %dma_start3A_84] : memref<20000x128xf32, #tpu.memory_space<hbm>> -> memref<20000x128xf32, #tpu.memory_space<hbm>>
      tpu.enqueue_indirect_dma source(%dma_start3A_85 : memref<20000x128xf32, #tpu.memory_space<hbm>>) target(%arg8 : memref<96x128xf32, #tpu.memory_space<vmem>>) offsets(%dma_start3A_82 : memref<96xi32, #tpu.memory_space<vmem>>) semaphore(%arg11 : memref<!tpu.dma_semaphore, #tpu.memory_space<semaphore_mem>>)
      %add3A_86 = arith.constant 1 : i32
      %add3A_87 = arith.addi %mul3A_63, %add3A_86 : i32
      %mul3A_88 = arith.constant 96 : i32
      %mul3A_89 = arith.muli %add3A_87, %mul3A_88 : i32
      %dma_wait3A_90 = tpu.memref_slice %arg6[%mul3A_89] : memref<10080xi32, #tpu.memory_space<vmem>> -> memref<96xi32, #tpu.memory_space<vmem>>
      %dma_wait3A_91 = arith.constant 0 : i32
      %dma_wait3A_92 = arith.constant 0 : i32
      %dma_wait3A_93 = tpu.memref_slice %arg2[%dma_wait3A_91, %dma_wait3A_92] : memref<20000x128xf32, #tpu.memory_space<hbm>> -> memref<20000x128xf32, #tpu.memory_space<hbm>>
      tpu.wait_indirect_dma semaphore(%arg11 : memref<!tpu.dma_semaphore, #tpu.memory_space<semaphore_mem>>) src(%dma_wait3A_93 : memref<20000x128xf32, #tpu.memory_space<hbm>>) dst(%arg9 : memref<96x128xf32, #tpu.memory_space<vmem>>)
      %add3A_94 = arith.constant 1 : i32
      %add3A_95 = arith.addi %mul3A_63, %add3A_94 : i32
      "tpu.region"() ({
        %run_scoped3A_96 = tpu.sem_alloc : memref<!tpu.dma_semaphore, #tpu.memory_space<semaphore_mem>>
        %dma_start3A_97 = arith.constant 0 : i32
        %dma_start3A_98 = tpu.memref_slice %arg7[%add3A_95, %dma_start3A_97] : memref<105x96xi32, #tpu.memory_space<vmem>> -> memref<1x96xi32, #tpu.memory_space<vmem>>
        %dma_start3A_99 = tpu.memref_squeeze %dma_start3A_98 : memref<1x96xi32, #tpu.memory_space<vmem>> -> memref<96xi32, #tpu.memory_space<vmem>>
        %dma_start3A_100 = arith.constant 0 : i32
        %dma_start3A_101 = arith.constant 0 : i32
        %dma_start3A_102 = tpu.memref_slice %arg10[%dma_start3A_100, %dma_start3A_101] : memref<10112x128xf32, #tpu.memory_space<vmem_shared>> -> memref<10112x128xf32, #tpu.memory_space<vmem_shared>>
        tpu.enqueue_indirect_dma source(%arg9 : memref<96x128xf32, #tpu.memory_space<vmem>>) target(%dma_start3A_102 : memref<10112x128xf32, #tpu.memory_space<vmem_shared>>) offsets(%dma_start3A_99 : memref<96xi32, #tpu.memory_space<vmem>>) semaphore(%run_scoped3A_96 : memref<!tpu.dma_semaphore, #tpu.memory_space<semaphore_mem>>) {add = true}
        %dma_wait3A_103 = arith.constant 0 : i32
        %dma_wait3A_104 = tpu.memref_slice %arg7[%add3A_95, %dma_wait3A_103] : memref<105x96xi32, #tpu.memory_space<vmem>> -> memref<1x96xi32, #tpu.memory_space<vmem>>
        %dma_wait3A_105 = tpu.memref_squeeze %dma_wait3A_104 : memref<1x96xi32, #tpu.memory_space<vmem>> -> memref<96xi32, #tpu.memory_space<vmem>>
        %dma_wait3A_106 = arith.constant 0 : i32
        %dma_wait3A_107 = arith.constant 0 : i32
        %dma_wait3A_108 = tpu.memref_slice %arg10[%dma_wait3A_106, %dma_wait3A_107] : memref<10112x128xf32, #tpu.memory_space<vmem_shared>> -> memref<10112x128xf32, #tpu.memory_space<vmem_shared>>
        tpu.wait_indirect_dma semaphore(%run_scoped3A_96 : memref<!tpu.dma_semaphore, #tpu.memory_space<semaphore_mem>>) src(%arg9 : memref<96x128xf32, #tpu.memory_space<vmem>>) dst(%dma_wait3A_108 : memref<10112x128xf32, #tpu.memory_space<vmem_shared>>)
        tpu.yield
      }) : () -> ()
    }
    %scan3A_47 = arith.constant 52 : i32
    %dma_wait3A = arith.constant 9984 : i32
    %dma_wait3A_48 = tpu.memref_slice %arg6[%dma_wait3A] : memref<10080xi32, #tpu.memory_space<vmem>> -> memref<96xi32, #tpu.memory_space<vmem>>
    %dma_wait3A_49 = arith.constant 0 : i32
    %dma_wait3A_50 = arith.constant 0 : i32
    %dma_wait3A_51 = tpu.memref_slice %arg2[%dma_wait3A_49, %dma_wait3A_50] : memref<20000x128xf32, #tpu.memory_space<hbm>> -> memref<20000x128xf32, #tpu.memory_space<hbm>>
    tpu.wait_indirect_dma semaphore(%arg11 : memref<!tpu.dma_semaphore, #tpu.memory_space<semaphore_mem>>) src(%dma_wait3A_51 : memref<20000x128xf32, #tpu.memory_space<hbm>>) dst(%arg8 : memref<96x128xf32, #tpu.memory_space<vmem>>)
    %run_scoped3A = arith.constant 104 : i32
    "tpu.region"() ({
      %run_scoped3A_61 = tpu.sem_alloc : memref<!tpu.dma_semaphore, #tpu.memory_space<semaphore_mem>>
      %dma_start3A_62 = arith.constant 0 : i32
      %dma_start3A_63 = tpu.memref_slice %arg7[%run_scoped3A, %dma_start3A_62] : memref<105x96xi32, #tpu.memory_space<vmem>> -> memref<1x96xi32, #tpu.memory_space<vmem>>
      %dma_start3A_64 = tpu.memref_squeeze %dma_start3A_63 : memref<1x96xi32, #tpu.memory_space<vmem>> -> memref<96xi32, #tpu.memory_space<vmem>>
      %dma_start3A_65 = arith.constant 0 : i32
      %dma_start3A_66 = arith.constant 0 : i32
      %dma_start3A_67 = tpu.memref_slice %arg10[%dma_start3A_65, %dma_start3A_66] : memref<10112x128xf32, #tpu.memory_space<vmem_shared>> -> memref<10112x128xf32, #tpu.memory_space<vmem_shared>>
      tpu.enqueue_indirect_dma source(%arg8 : memref<96x128xf32, #tpu.memory_space<vmem>>) target(%dma_start3A_67 : memref<10112x128xf32, #tpu.memory_space<vmem_shared>>) offsets(%dma_start3A_64 : memref<96xi32, #tpu.memory_space<vmem>>) semaphore(%run_scoped3A_61 : memref<!tpu.dma_semaphore, #tpu.memory_space<semaphore_mem>>) {add = true}
      %dma_wait3A_68 = arith.constant 0 : i32
      %dma_wait3A_69 = tpu.memref_slice %arg7[%run_scoped3A, %dma_wait3A_68] : memref<105x96xi32, #tpu.memory_space<vmem>> -> memref<1x96xi32, #tpu.memory_space<vmem>>
      %dma_wait3A_70 = tpu.memref_squeeze %dma_wait3A_69 : memref<1x96xi32, #tpu.memory_space<vmem>> -> memref<96xi32, #tpu.memory_space<vmem>>
      %dma_wait3A_71 = arith.constant 0 : i32
      %dma_wait3A_72 = arith.constant 0 : i32
      %dma_wait3A_73 = tpu.memref_slice %arg10[%dma_wait3A_71, %dma_wait3A_72] : memref<10112x128xf32, #tpu.memory_space<vmem_shared>> -> memref<10112x128xf32, #tpu.memory_space<vmem_shared>>
      tpu.wait_indirect_dma semaphore(%run_scoped3A_61 : memref<!tpu.dma_semaphore, #tpu.memory_space<semaphore_mem>>) src(%arg8 : memref<96x128xf32, #tpu.memory_space<vmem>>) dst(%dma_wait3A_73 : memref<10112x128xf32, #tpu.memory_space<vmem_shared>>)
      tpu.yield
    }) : () -> ()
    "tpu.trace_start"() <{level = 10 : i32, message = "copy_out"}> : () -> ()
    %barrier3A_52 = arith.constant 0 : index
    tpu.barrier barrier_id(%barrier3A_52)
    %mul3A_53 = arith.constant 128 : i32
    %mul3A_54 = arith.muli %arg0, %mul3A_53 : i32
    %multiple_of3A = tpu.assume_multiple %mul3A_54, 128 : i32
    %mul3A_55 = arith.constant 624 : i32
    %mul3A_56 = arith.muli %arg1, %mul3A_55 : i32
    %mul3A_57 = arith.constant 624 : i32
    %mul3A_58 = arith.muli %arg1, %mul3A_57 : i32
    "tpu.region"() ({
      %run_scoped3A_61 = tpu.sem_alloc : memref<!tpu.dma_semaphore, #tpu.memory_space<semaphore_mem>>
      %dma_start3A_62 = tpu.memref_slice %arg5[%mul3A_58, %multiple_of3A] : memref<10000x256xf32, #tpu.memory_space<hbm>> -> memref<624x128xf32, #tpu.memory_space<hbm>>
      %dma_start3A_63 = arith.constant 0 : i32
      %dma_start3A_64 = tpu.memref_slice %arg10[%mul3A_56, %dma_start3A_63] : memref<10112x128xf32, #tpu.memory_space<vmem_shared>> -> memref<624x128xf32, #tpu.memory_space<vmem_shared>>
      tpu.enqueue_dma source(%dma_start3A_64 : memref<624x128xf32, #tpu.memory_space<vmem_shared>>) target(%dma_start3A_62 : memref<624x128xf32, #tpu.memory_space<hbm>>) target_semaphore(%run_scoped3A_61 : memref<!tpu.dma_semaphore, #tpu.memory_space<semaphore_mem>>)
      %dma_wait3A_65 = tpu.memref_slice %arg5[%mul3A_58, %multiple_of3A] : memref<10000x256xf32, #tpu.memory_space<hbm>> -> memref<624x128xf32, #tpu.memory_space<hbm>>
      %dma_wait3A_66 = arith.constant 0 : i32
      %dma_wait3A_67 = tpu.memref_slice %arg10[%mul3A_56, %dma_wait3A_66] : memref<10112x128xf32, #tpu.memory_space<vmem_shared>> -> memref<624x128xf32, #tpu.memory_space<vmem_shared>>
      tpu.wait_dma2 semaphore(%run_scoped3A_61 : memref<!tpu.dma_semaphore, #tpu.memory_space<semaphore_mem>>) src(%dma_wait3A_67 : memref<624x128xf32, #tpu.memory_space<vmem_shared>>) dst(%dma_wait3A_65 : memref<624x128xf32, #tpu.memory_space<hbm>>)
      tpu.yield
    }) : () -> ()
    %eq3A = arith.constant 15 : i32
    %eq3A_59 = arith.cmpi eq, %arg1, %eq3A : i32
    %convert_element_type3A = arith.extui %eq3A_59 : i1 to i32
    %cond3A = arith.constant 0 : i32
    %cond3A_60 = arith.cmpi ne, %convert_element_type3A, %cond3A : i32
    scf.if %cond3A_60 {
      "tpu.region"() ({
        %run_scoped3A_61 = tpu.sem_alloc : memref<!tpu.dma_semaphore, #tpu.memory_space<semaphore_mem>>
        %dma_start3A_62 = arith.constant 9984 : i32
        %dma_start3A_63 = tpu.memref_slice %arg5[%dma_start3A_62, %multiple_of3A] : memref<10000x256xf32, #tpu.memory_space<hbm>> -> memref<16x128xf32, #tpu.memory_space<hbm>>
        %dma_start3A_64 = arith.constant 9984 : i32
        %dma_start3A_65 = arith.constant 0 : i32
        %dma_start3A_66 = tpu.memref_slice %arg10[%dma_start3A_64, %dma_start3A_65] : memref<10112x128xf32, #tpu.memory_space<vmem_shared>> -> memref<16x128xf32, #tpu.memory_space<vmem_shared>>
        tpu.enqueue_dma source(%dma_start3A_66 : memref<16x128xf32, #tpu.memory_space<vmem_shared>>) target(%dma_start3A_63 : memref<16x128xf32, #tpu.memory_space<hbm>>) target_semaphore(%run_scoped3A_61 : memref<!tpu.dma_semaphore, #tpu.memory_space<semaphore_mem>>)
        %dma_wait3A_67 = arith.constant 9984 : i32
        %dma_wait3A_68 = tpu.memref_slice %arg5[%dma_wait3A_67, %multiple_of3A] : memref<10000x256xf32, #tpu.memory_space<hbm>> -> memref<16x128xf32, #tpu.memory_space<hbm>>
        %dma_wait3A_69 = arith.constant 9984 : i32
        %dma_wait3A_70 = arith.constant 0 : i32
        %dma_wait3A_71 = tpu.memref_slice %arg10[%dma_wait3A_69, %dma_wait3A_70] : memref<10112x128xf32, #tpu.memory_space<vmem_shared>> -> memref<16x128xf32, #tpu.memory_space<vmem_shared>>
        tpu.wait_dma2 semaphore(%run_scoped3A_61 : memref<!tpu.dma_semaphore, #tpu.memory_space<semaphore_mem>>) src(%dma_wait3A_71 : memref<16x128xf32, #tpu.memory_space<vmem_shared>>) dst(%dma_wait3A_68 : memref<16x128xf32, #tpu.memory_space<hbm>>)
        tpu.yield
      }) : () -> ()
    } else {
    }
    "tpu.trace_stop"() : () -> ()
    return
  }
}

module attributes {stable_mosaic.version = 14 : i64} {
  func.func @_mm_body(%arg0: i32, %arg1: i32, %arg2: memref<1000x256xf32, #tpu.memory_space<vmem>>, %arg3: memref<256x128xf32, #tpu.memory_space<vmem>>, %arg4: memref<1000x128xf32, #tpu.memory_space<vmem>>) attributes {dimension_semantics = [#tpu.dimension_semantics<arbitrary>, #tpu.dimension_semantics<arbitrary>], iteration_bounds = array<i64: 2, 10>, scalar_prefetch = 0 : i64, scratch_operands = 0 : i64, tpu.core_type = #tpu.core_type<tc>, window_params = [{transform_indices = @transform_0, window_bounds = array<i64: 1000, 256>}, {transform_indices = @transform_1, window_bounds = array<i64: 256, 128>}, {transform_indices = @transform_2, window_bounds = array<i64: 1000, 128>}]} {
    %get3A = arith.constant 0 : index
    %get3A_0 = arith.constant 0 : index
    %get3A_1 = vector.load %arg2[%get3A, %get3A_0] : memref<1000x256xf32, #tpu.memory_space<vmem>>, vector<1000x256xf32>
    %get3A_2 = arith.constant 0 : index
    %get3A_3 = arith.constant 0 : index
    %get3A_4 = vector.load %arg3[%get3A_2, %get3A_3] : memref<256x128xf32, #tpu.memory_space<vmem>>, vector<256x128xf32>
    %dot_general3A = arith.constant dense<0.000000e+00> : vector<1000x128xf32>
    %dot_general3A_5 = tpu.matmul %get3A_1, %get3A_4, %dot_general3A {dimension_numbers = #tpu.dot_dimension_numbers<[1], [0], [0], [1], [0, 0, 1, 1], [], []>, transpose_lhs_hint = false} : vector<1000x256xf32>, vector<256x128xf32>, vector<1000x128xf32> -> vector<1000x128xf32>
    %swap3A = arith.constant 0 : index
    %swap3A_6 = arith.constant 0 : index
    %swap3A_7 = vector.load %arg4[%swap3A, %swap3A_6] : memref<1000x128xf32, #tpu.memory_space<vmem>>, vector<1000x128xf32>
    tpu.vector_store %arg4[%swap3A, %swap3A_6], %dot_general3A_5 {strides = array<i32>} : memref<1000x128xf32, #tpu.memory_space<vmem>>, vector<1000x128xf32>,
    return
  }
  func.func @transform_0(%arg0: i32, %arg1: i32) -> (i32, i32) {
    %c0_i32 = arith.constant 0 : i32
    %c0_i32_0 = arith.constant 0 : i32
    return %arg1, %c0_i32 : i32, i32
  }
  func.func @transform_1(%arg0: i32, %arg1: i32) -> (i32, i32) {
    %c0_i32 = arith.constant 0 : i32
    %c0_i32_0 = arith.constant 0 : i32
    return %c0_i32, %arg0 : i32, i32
  }
  func.func @transform_2(%arg0: i32, %arg1: i32) -> (i32, i32) {
    %mul3A = arith.constant 10 : i32
    %mul3A_0 = arith.muli %arg0, %mul3A : i32
    %add3A = arith.addi %mul3A_0, %arg1 : i32
    %c0_i32 = arith.constant 0 : i32
    %c0_i32_1 = arith.constant 0 : i32
    return %add3A, %c0_i32 : i32, i32
  }
}

</mosaic_0001>

<sc_bundles>
// kernel: kernel.4.cloned.1.call-start
scs
__scs_entry_jumppad:
0x0: {  	(pc) =	sbr.rel $0x88, $3  }
0x1: {  	(tag) =	ssettag $0x0;
	lr =	simm.s32 $0x1  }
0x2: {  	[smem:$0x3F9E] =	sst lr;
	_ =	strace $0xD0000000  }
0x3: {  	_ = 	snop  }
0x4: {  	_ = 	snop  }
0x5: {  	_ = 	snop  }
0x6: {  	_ = 	snop  }
0x7: {  	_ = 	snop  }
__scs_overlays_trampoline_lowered:
0x8: {  	[smem:$0x3FAD] =	sst s0  }
0x9: {  	[smem:$0x3FAE] =	sst s1  }
0xa: {  	[smem:$0x3FAF] =	sst s2  }
0xb: {  	[smem:$0x3FB0] =	sst s3  }
0xc: {  	[smem:$0x3FB1] =	sst s4  }
0xd: {  	[smem:$0x3FB2] =	sst s5  }
0xe: {  	[smem:$0x3FB3] =	sst s6  }
0xf: {  	[smem:$0x3FB4] =	sst s7  }
0x10: {  	[smem:$0x3FB5] =	sst s8  }
0x11: {  	[smem:$0x3FB6] =	sst s9;
	s0 =	simm.s32 @!p0 $0x0  }
0x12: {  	s1 =	sld [smem:$0x3F9C];
	s0 =	simm.s32 @p0 $0x1  }
0x13: {  	[smem:$0x3FB7] =	sst s0;
	s0 =	simm.s32 @!p1 $0x0  }
0x14: {  	s2 =	sld [smem:$0x3F9B];
	s0 =	simm.s32 @p1 $0x1  }
0x15: {  	[smem:$0x3FB8] =	sst s0;
	s0 =	simm.s32 @!p2 $0x0  }
0x16: {  	s3 =	sld [smem:$0x3FDB];
	s0 =	simm.s32 @p2 $0x1  }
0x17: {  	s4 =	simm.s32 $0x1BF5;
	[smem:$0x3FBA] =	sst s0  }
0x18: {  	s0 =	sld [smem:$0x3F9D];
	_ =	swait.ge [sflag:s4], $0x0  }
0x19: {  	s7 =	sld [smem:$0x3F9E]  }
0x1a: {  	s8 =	sadd.s32 $0xFFFFE003, lr  }
0x1b: {  	s9 =	sadd.s32 $0xFFFFFEF7, lr;
	s5 =	simm.s32 $0xFFFFFFFF;
	p2 =	slt.u32 s8, $0xFFFFF086  }
0x1c: {  	p1 =	slt.u32 s9, $0xF7A;
	s5 =	simm.s32 @!p2 $0x0  }
0x1d: {  	s5 =	simm.s32 @p1 $0x1;
	p0 =	seq.s32 s7, s2  }
0x1e: {  	s7 =	smul.u32 @!p0 $0xF7A, s2;
	p2 =	seq.s32 @!p0 s5, $0x0  }
0x1f: {  	s9 =	smul.u32 $0xF7A, s1;
	s8 =	simm.s32 @!p0 $0x1BF5;
	p2 =	por !p2, p0  }
0x20: {  	[sflag:s8] =	ssyncset.s32 @!p0 $0xFFFFF086;
	s6 =	sadd.s32 @!p0 s3, s7;
	s7 =	simm.s32 @!p0 $0x108  }
0x21: {  	s3 =	sadd.s32 s3, s9;
	s6 =	sadd.s32 @!p0 $0x88, s6;
	s7 =	simm.s32 @p2 $0x1082  }
0x22: {  	[simem:s7], [sflag:s8] =	dma.local @!p0 [hbm:s6], $0xF7A  }
0x23: {  	s9 =	sor.u32 $0xD0000000, s2;
	s6 =	simm.s32 $0x108;
	_ =	swait.ge @!p0 [sflag:s8], $0x0  }
0x24: {  	s3 =	sadd.s32 $0x88, s3;
	s6 =	simm.s32 @!p1 $0x1082;
	[sflag:s4] =	ssyncset.s32 $0xFFFFF086  }
0x25: {  	[simem:s6], [sflag:s4] =	dma.local [hbm:s3], $0xF7A  }
0x26: {  	[smem:$0x3F9E] =	sst s1;
	(tag) =	ssettag s2;
	_ =	strace s9  }
0x27: {  	s1 =	sld [smem:$0x3FAE]  }
0x28: {  	s2 =	sld [smem:$0x3FAF]  }
0x29: {  	s4 =	sld [smem:$0x3FB1]  }
0x2a: {  	p0 =	seq.s32 s5, $0x0;
	s5 =	sld [smem:$0x3FB2]  }
0x2b: {  	s6 =	sld [smem:$0x3FB3]  }
0x2c: {  	s7 =	sld [smem:$0x3FB4]  }
0x2d: {  	s3 =	simm.s32 $0x108;
	s8 =	sld [smem:$0x3FB5]  }
0x2e: {  	s3 =	simm.s32 @!p0 $0x1082;
	s9 =	sld [smem:$0x3FB6]  }
0x2f: {  	lr =	sadd.s32 s0, s3;
	s0 =	sld [smem:$0x3FAD]  }
0x30: {  	s3 =	sld [smem:$0x3FB0]  }
0x31: {  	[smem:$0x3FB9] =	sst s10  }
0x32: {  	s10 =	sld [smem:$0x3FB7];
	_ =	sdelay $0x3  }
0x33: {  	p0 =	seq.s32 s10, $0x1;
	s10 =	sld [smem:$0x3FB9];
	_ =	sdelay $0x3  }
0x34: {  	[smem:$0x3FB9] =	sst s10  }
0x35: {  	s10 =	sld [smem:$0x3FB8];
	_ =	sdelay $0x3  }
0x36: {  	p1 =	seq.s32 s10, $0x1;
	s10 =	sld [smem:$0x3FB9];
	_ =	sdelay $0x3  }
0x37: {  	[smem:$0x3FB9] =	sst s10  }
0x38: {  	s10 =	sld [smem:$0x3FBA]  }
0x39: {  	_ = 	snop;
	(pc) =	sbr.ind lr, $3  }
0x3a: {  	_ = 	snop  }
0x3b: {  	_ = 	snop  }
0x3c: {  	p2 =	seq.s32 s10, $0x1;
	s10 =	sld [smem:$0x3FB9]  }
0x3d: {  	_ =	shalt  }
0x3e: {  	_ =	shalt  }
0x3f: {  	_ =	shalt  }
0x40: {  	_ =	shalt  }
0x41: {  	_ =	shalt  }
0x42: {  	_ =	shalt  }
0x43: {  	_ =	shalt  }
0x44: {  	_ =	shalt  }
0x45: {  	_ =	shalt  }
0x46: {  	_ =	shalt  }
0x47: {  	_ =	shalt  }
0x48: {  	_ =	shalt  }
0x49: {  	_ =	shalt  }
0x4a: {  	_ =	shalt  }
0x4b: {  	_ =	shalt  }
0x4c: {  	_ =	shalt  }
0x4d: {  	_ =	shalt  }
0x4e: {  	_ =	shalt  }
0x4f: {  	_ =	shalt  }
0x50: {  	_ =	shalt  }
0x51: {  	_ =	shalt  }
0x52: {  	_ =	shalt  }
0x53: {  	_ =	shalt  }
0x54: {  	_ =	shalt  }
0x55: {  	_ =	shalt  }
0x56: {  	_ =	shalt  }
0x57: {  	_ =	shalt  }
0x58: {  	_ =	shalt  }
0x59: {  	_ =	shalt  }
0x5a: {  	_ =	shalt  }
0x5b: {  	_ =	shalt  }
0x5c: {  	_ =	shalt  }
0x5d: {  	_ =	shalt  }
0x5e: {  	_ =	shalt  }
0x5f: {  	_ =	shalt  }
0x60: {  	_ =	shalt  }
0x61: {  	_ =	shalt  }
0x62: {  	_ =	shalt  }
0x63: {  	_ =	shalt  }
0x64: {  	_ =	shalt  }
0x65: {  	_ =	shalt  }
0x66: {  	_ =	shalt  }
0x67: {  	_ =	shalt  }
0x68: {  	_ =	shalt  }
0x69: {  	_ =	shalt  }
0x6a: {  	_ =	shalt  }
0x6b: {  	_ =	shalt  }
0x6c: {  	_ =	shalt  }
0x6d: {  	_ =	shalt  }
0x6e: {  	_ =	shalt  }
0x6f: {  	_ =	shalt  }
0x70: {  	_ =	shalt  }
0x71: {  	_ =	shalt  }
0x72: {  	_ =	shalt  }
0x73: {  	_ =	shalt  }
0x74: {  	_ =	shalt  }
0x75: {  	_ =	shalt  }
0x76: {  	_ =	shalt  }
0x77: {  	_ =	shalt  }
0x78: {  	_ =	shalt  }
0x79: {  	_ =	shalt  }
0x7a: {  	_ =	shalt  }
0x7b: {  	_ =	shalt  }
0x7c: {  	_ =	shalt  }
0x7d: {  	_ =	shalt  }
0x7e: {  	_ =	shalt  }
0x7f: {  	_ =	shalt  }
0x80: {  	_ =	shalt  }
0x81: {  	_ =	shalt  }
0x82: {  	_ =	shalt  }
0x83: {  	_ =	shalt  }
0x84: {  	_ =	shalt  }
0x85: {  	_ =	shalt  }
0x86: {  	_ =	shalt  }
0x87: {  	_ =	shalt  }
.Lfunc_end0:
.L_simem_size_0:
called_computation_lowered:
.L_overlay_start_0:
0x88: {  	s2 =	sld [smem:$0x3FD9]  }
0x89: {  	s3 =	sld [smem:$0x3FFE];
	_ =	sdelay $0x1  }
0x8a: {  	s1 =	srdreg.scid  }
0x8b: {  	s0 =	sand.u32 $0x1, s1  }
0x8c: {  	s17 =	sshll.u32 s0, $0xA;
	s2 =	sadd.s32 s3, s2  }
0x8d: {  	s2 =	sadd.s32 s2, s17  }
0x8e: {  	[smem:$0x3FC5] =	sst s2  }
0x8f: {  	_ = 	snop  }
0x90: {  	s2 =	sld [smem:$0x3FD0];
	(tm) =	ssettm $0x1  }
0x91: {  	s18 =	sld [smem:$0x3FFB];
	_ =	sdelay $0x3  }
0x92: {  	_ =	strace s18  }
0x93: {  	s3 =	sld [smem:$0x3FFC];
	_ =	sdelay $0x3  }
0x94: {  	_ =	strace s3  }
0x95: {  	s3 =	sld [smem:$0x3FFD];
	_ =	sdelay $0x3  }
0x96: {  	_ =	strace s3  }
0x97: {  	_ =	strace $0x8FFFFFFF  }
0x98: {  	s19 =	sld [smem:$0x3FDB];
	_ =	sdelay $0x1  }
0x99: {  	s4 =	simm.s32 $_scs_section_size  }
0x9a: {  	s5 =	simm.s32 $_size__tile_overlayer_lowered;
	s6 =	simm.s32 $_tile_overlayer_lowered  }
0x9b: {  	s22 =	simm.s32 $0x1BFF;
	s21 =	sshll.u32 s6, $0x1;
	s3 =	sadd.s32 s4, s19  }
0x9c: {  	s7 =	simm.s32 $0x0;
	s20 =	sshll.u32 s5, $0x1;
	s5 =	sadd.s32 s21, s3  }
0x9d: {  	[timem:s7], [sflag:s22] =	dma.local [hbm:s5], s20  }
0x9e: {  	_ =	swait.ge [sflag:s22], s20  }
0x9f: {  	s4 =	ssub.s32 $0x0, s20;
	[sflag:s22] =	ssyncset.done $0x0  }
0xa0: {  	[sflag:s22] =	ssyncadd.s32 s4;
	_ =	sdelay $0x1  }
0xa1: {  	s23 =	simm.s32 $0x1B8B  }
0xa2: {  	_ =	swait.ge [sflag:s23], $0x1  }
0xa3: {  	[sflag:s23] =	ssyncset.done $0x0  }
0xa4: {  	s25 =	simm.s32 $0x1B8E;
	s24 =	sld [smem:$0x3FFE];
	[sflag:s23] =	ssyncadd.s32 $0xFFFFFFFF  }
0xa5: {  	s26 =	simm.s32 $execute0_lowered;
	[smem:$0x3FD2] =	sst s25  }
0xa6: {  	s5 =	sshll.u32 s26, $0x1;
	_ =	strace $0x80000046;
	[dreg:$0x1] =	wrdreg $0xFFFFFFFF  }
0xa7: {  	s28 =	simm.s32 $_size_execute0_lowered;
	s3 =	sadd.s32 s3, s5;
	[dreg:$0x0] =	wrdreg $0x0  }
0xa8: {  	s5 =	sshll.u32 s28, $0x1;
	[dreg:$0x2] =	wrdreg s3  }
0xa9: {  	[dreg:$0x3] =	wrdreg s5  }
0xaa: {  	[dreg:$0x4] =	wrdreg $0xC0  }
0xab: {  	_ =	task [dreg:s7], $0x5FFFF  }
0xac: {  	[dreg:$0x1] =	wrdreg $0xFFFFFFFF  }
0xad: {  	[dreg:$0x0] =	wrdreg $0x60  }
0xae: {  	[dreg:$0x2] =	wrdreg s24  }
0xaf: {  	[dreg:$0x3] =	wrdreg s2  }
0xb0: {  	[dreg:$0x4] =	wrdreg $0xBF800  }
0xb1: {  	[dreg:$0x5] =	wrdreg $0x9  }
0xb2: {  	_ =	task.clear_ibuf [dreg:s7], $0x6FFFF;
	_ =	strace $0x90000046  }
0xb3: {  	s29 =	simm.s32 $0x9;
	_ =	strace $0x8000004A  }
0xb4: {  	_ =	swait.ge [sflag:s29], $0x1  }
0xb5: {  	[sflag:s29] =	ssyncadd.s32 $0xFFFFFFFF  }
0xb6: {  	_ =	strace $0x9000004A  }
0xb7: {  	_ =	sfence  }
0xb8: {  	s30 =	sld [smem:$0x0];
	_ =	sdelay $0x2  }
0xb9: {  	s31 =	sshll.u32 s1, $0xD;
	s1 =	sshrl.u32 s1, $0x2  }
0xba: {  	s3 =	sand.u32 $0x4000, s31;
	s1 =	sadd.s32 s1, s30  }
0xbb: {  	s0 =	sor.u32 s3, s0;
	s1 =	sshll.u32 s1, $0x11  }
0xbc: {  	s0 =	sor.u32 s1, s0  }
0xbd: {  	s0 =	sadd.s32 $0x8F2B, s0  }
0xbe: {  	[sflag:s0] =	ssyncadd.remote.s32 $0x1  }
0xbf: {  	_ =	sfence.sel $0xFFFF  }
0xc0: {  	[dreg:$0x0] =	wrdreg $0xFFFFFFFF;
	(pc) =	sbr.abs _section_cstart, $3  }
0xc1: {  	[dreg:$0x1] =	wrdreg $0xFFFFFFFF  }
0xc2: {  	_ =	task.clear_ibuf [dreg:s7], $0x2FFFF;
	_ =	strace $0x9FFFFFFF  }
0xc3: {  	(tm) =	ssettm $0x7FFFFFFF  }
tec
execute0_lowered:
.L_overlay_start_1:
0x0: {  	(tag) =	ssettag $0x1  }
0x1: {  	s0 =	rddreg [dreg:$0x0]  }
0x2: {  	s15 =	rddreg [dreg:$0x1]  }
0x3: {  	s1 =	rddreg [dreg:$0x2];
	s2 =	srdreg.scid  }
0x4: {  	s3 =	simm.s32 $0x0;
	s24 =	stileid.u32;
	s20 =	simm.s32 $0x60  }
0x5: {  	s21 =	simm.s32 $0x8F80;
	s22 =	simm.s32 $0x1;
	s6 =	smul.u32 $0x4F000, s24  }
0x6: {  	s23 =	stileid.u32;
	s28 =	simm.s32 $0x100;
	s7 =	smul.u32 $0x700, s24  }
0x7: {  	s29 =	simm.s32 $0x80;
	s14 =	sand.u32 $0x1, s2;
	s17 =	smul.u32 $0x4E000, s24  }
0x8: {  	[smem:$0x7FF] =	sst s3;
	s18 =	smul.u32 $0x27000, s24;
	s25 =	sadd.s32 $0x138000, s1  }
0x9: {  	p0 =	sne.s32 s24, $0xF;
	s4 =	sshll.u32 s14, $0x4;
	_ =	strace $0x80000047  }
0xa: {  	s8 =	ssub.s32 $0x2, s14;
	s19 =	sshll.u32 s14, $0xA;
	s31 =	sshll.u32 s14, $0x7  }
0xb: {  	s25 =	sshrl.u32 @!p0 s25, $0x3;
	s5 =	sor.u32 s24, s4;
	s4 =	sadd.s32 $0x11200, s0  }
0xc: {  	s6 =	sshrl.u32 s6, $0x2;
	s9 =	sshrl.u32 s8, $0x1;
	s30 =	sor.u32 s19, s18  }
0xd: {  	s26 =	sshrl.u32 s17, $0x2;
	s18 =	simm.s32 $0x2;
	s17 =	sshrl.u32 s30, $0x3  }
0xe: {  	s5 =	smul.u32 $0x4EC, s5;
	s16 =	ssub.s32 s8, s9;
	s14 =	sadd.s32 s15, s17  }
0xf: {  	s15 =	sadd.s32 s31, s15;
	s16 =	smax.u32 s16, $0x1;
	s17 =	simm.s32 $0x5F80  }
0x10: {  	s12 =	sadd.s32 s5, s0;
	s5 =	sadd.s32 s6, s1;
	s0 =	sadd.s32 s7, s0  }
0x11: {  	s15 =	sadd.s32 $0x4E000, s15;
	s6 =	sadd.s32 $0x3000, s5;
	s7 =	sadd.s32 $0x6000, s5  }
0x12: {  	s8 =	sadd.s32 $0x9000, s5;
	s9 =	sadd.s32 $0xC000, s5;
	s10 =	sadd.s32 $0xF000, s5  }
0x13: {  	s11 =	sadd.s32 $0x12000, s5;
	s13 =	sadd.s32 $0x400, s0;
	s0 =	sadd.s32 s26, s1  }
0x14: {  	v0 =	vimm.f32 $0.0e+00;
	s12 =	sadd.s32 $0x7400, s12;
	s26 =	simm.s32 $0x8;
	s24 =	sshrl.u32 s0, $0x3  }
.LBB2_1:
0x15: {  	_ =	strace $0x80000048;
	s0 =	simm.s32 $0x0;
	s30 =	simm.s32 $0x200  }
.LBB2_2:
0x16: {  	p1 =	sne.s32 s30, $0xBE00;
	[tilespmem:s0+$0x5FF0] =	vst v0  }
0x17: {  	[tilespmem:s0+$0x5F80] =	vst v0  }
0x18: {  	[tilespmem:s0+$0x5F90] =	vst v0  }
.Ltmp0:
0x19: {  	[tilespmem:s0+$0x5FA0] =	vst v0;
	(pc) =	sbr.rel @p1 .LBB2_2-.Ltmp0, $4  }
0x1a: {  	[tilespmem:s0+$0x5FB0] =	vst v0  }
0x1b: {  	[tilespmem:s0+$0x5FC0] =	vst v0  }
0x1c: {  	[tilespmem:s0+$0x5FD0] =	vst v0  }
0x1d: {  	[tilespmem:s0+$0x5FE0] =	vst v0;
	s0 =	sshra.s32 s30, $0x2;
	s30 =	sadd.s32 $0x200, s30  }
0x1e: {  	[tilespmem:s0+$0x5FF0] =	vst v0  }
0x1f: {  	[tilespmem:s0+$0x5F80] =	vst v0  }
0x20: {  	[tilespmem:s0+$0x5F90] =	vst v0  }
0x21: {  	[tilespmem:s0+$0x5FA0] =	vst v0  }
0x22: {  	[tilespmem:s0+$0x5FB0] =	vst v0  }
0x23: {  	[tilespmem:s0+$0x5FC0] =	vst v0  }
0x24: {  	[tilespmem:s0+$0x5FD0] =	vst v0  }
0x25: {  	[tilespmem:s0+$0x5FE0] =	vst v0  }
0x26: {  	[spmem:s5] =	stream.linear.scatter [tilespmem:s17], [sflag:$0x2], $0x3000, $0x200038;
	[tilespmem:$0x1FB80] =	vst v63  }
0x27: {  	_ =	swait.ge [sflag:s18], $0x3000  }
0x28: {  	[sflag:s18] =	ssyncset.done $0x0  }
0x29: {  	[sflag:s18] =	ssyncadd.s32 $0xFFFFD000  }
0x2a: {  	[spmem:s6] =	stream.linear.scatter [tilespmem:s17], [sflag:$0x2], $0x3000, $0x200038;
	[tilespmem:$0x1FB80] =	vst v63  }
0x2b: {  	_ =	swait.ge [sflag:s18], $0x3000  }
0x2c: {  	[sflag:s18] =	ssyncset.done $0x0  }
0x2d: {  	[sflag:s18] =	ssyncadd.s32 $0xFFFFD000  }
0x2e: {  	[spmem:s7] =	stream.linear.scatter [tilespmem:s17], [sflag:$0x2], $0x3000, $0x200038;
	[tilespmem:$0x1FB80] =	vst v63  }
0x2f: {  	_ =	swait.ge [sflag:s18], $0x3000  }
0x30: {  	[sflag:s18] =	ssyncset.done $0x0  }
0x31: {  	[sflag:s18] =	ssyncadd.s32 $0xFFFFD000  }
0x32: {  	[spmem:s8] =	stream.linear.scatter [tilespmem:s17], [sflag:$0x2], $0x3000, $0x200038;
	[tilespmem:$0x1FB80] =	vst v63  }
0x33: {  	_ =	swait.ge [sflag:s18], $0x3000  }
0x34: {  	[sflag:s18] =	ssyncset.done $0x0  }
0x35: {  	[sflag:s18] =	ssyncadd.s32 $0xFFFFD000  }
0x36: {  	[spmem:s9] =	stream.linear.scatter [tilespmem:s17], [sflag:$0x2], $0x3000, $0x200038;
	[tilespmem:$0x1FB80] =	vst v63  }
0x37: {  	_ =	swait.ge [sflag:s18], $0x3000  }
0x38: {  	[sflag:s18] =	ssyncset.done $0x0  }
0x39: {  	[sflag:s18] =	ssyncadd.s32 $0xFFFFD000  }
0x3a: {  	[spmem:s10] =	stream.linear.scatter [tilespmem:s17], [sflag:$0x2], $0x3000, $0x200038;
	[tilespmem:$0x1FB80] =	vst v63  }
0x3b: {  	_ =	swait.ge [sflag:s18], $0x3000  }
0x3c: {  	[sflag:s18] =	ssyncset.done $0x0  }
0x3d: {  	[sflag:s18] =	ssyncadd.s32 $0xFFFFD000  }
0x3e: {  	[spmem:s11] =	stream.linear.scatter [tilespmem:s17], [sflag:$0x2], $0x1C00, $0x200038;
	[tilespmem:$0x1FB80] =	vst v63  }
0x3f: {  	_ =	swait.ge [sflag:s18], $0x1C00  }
0x40: {  	[sflag:s18] =	ssyncset.done $0x0  }
0x41: {  	s19 =	simm.s32 $0x0;
	[sflag:s18] =	ssyncadd.s32 $0xFFFFE400  }
0x42: {  	[tilespmem:s19], [sflag:$0x2] =	stream.linear.gather [hbm4b:s12+s19], $0x2760, $0x200038;
	[tilespmem:$0x1FB80] =	vst v63  }
0x43: {  	_ =	swait.ge [sflag:s18], $0x2760  }
0x44: {  	[sflag:s18] =	ssyncset.done $0x0  }
0x45: {  	s2 =	simm.s32 $0x2780;
	[sflag:s18] =	ssyncadd.s32 $0xFFFFD8A0  }
0x46: {  	[tilespmem:s2], [sflag:$0x2] =	stream.linear.gather [hbm4b:s13+s19], $0x3480, $0x200038;
	[tilespmem:$0x1FB80] =	vst v63  }
0x47: {  	_ =	swait.ge [sflag:s18], $0x3480  }
0x48: {  	[sflag:s18] =	ssyncset.done $0x0  }
0x49: {  	[sflag:s18] =	ssyncadd.s32 $0xFFFFCB80  }
0x4a: {  	[bflag:$0x0] =	sbarrier.arrive $0xFFFF  }
0x4b: {  	_ =	strace $0x90000048  }
0x4c: {  	[tilespmem:s17], [sflag:$0x1] =	stream.indirect.gather [hbm4b:s4+s20], $0x80, s19, s20, $0xb8;
	[tilespmem:$0x1FB80] =	vst v63  }
0x4d: {  	s2 =	simm.s32 $0x60  }
0x4e: {  	[tilespmem:s21], [sflag:$0x1] =	stream.indirect.gather [hbm4b:s4+s20], $0x80, s2, s20, $0xb8;
	[tilespmem:$0x1FB80] =	vst v63  }
0x4f: {  	_ =	swait.ge [sflag:s22], $0x3000  }
0x50: {  	[sflag:s22] =	ssyncset.done $0x0  }
0x51: {  	s19 =	simm.s32 $0x2780;
	[sflag:s22] =	ssyncadd.s32 $0xFFFFD000  }
0x52: {  	[spmem:s1] =	stream.indirect.scatter.add.f32 [tilespmem:s17], [sflag:$0x2], $0x80, s19, s20, $0xb8;
	[tilespmem:$0x1FB80] =	vst v63  }
0x53: {  	_ =	swait.ge [sflag:s18], $0x3000  }
0x54: {  	[sflag:s18] =	ssyncset.done $0x0  }
0x55: {  	s2 =	simm.s32 $0xC0;
	[sflag:s18] =	ssyncadd.s32 $0xFFFFD000  }
0x56: {  	[tilespmem:s17], [sflag:$0x1] =	stream.indirect.gather [hbm4b:s4+s20], $0x80, s2, s20, $0xb8;
	[tilespmem:$0x1FB80] =	vst v63  }
0x57: {  	_ =	swait.ge [sflag:s22], $0x3000  }
0x58: {  	[sflag:s22] =	ssyncset.done $0x0  }
0x59: {  	s19 =	simm.s32 $0x2800;
	[sflag:s22] =	ssyncadd.s32 $0xFFFFD000  }
0x5a: {  	[spmem:s1] =	stream.indirect.scatter.add.f32 [tilespmem:s21], [sflag:$0x2], $0x80, s19, s20, $0xb8;
	[tilespmem:$0x1FB80] =	vst v63  }
0x5b: {  	s31 =	simm.s32 $0x400;
	_ =	swait.ge [sflag:s18], $0x3000  }
0x5c: {  	s0 =	simm.s32 $0x800;
	s30 =	simm.s32 $0x180;
	[sflag:s18] =	ssyncset.done $0x0  }
.LBB2_4:
0x5d: {  	p1 =	sne.s32 s0, $0xCC00;
	s19 =	sadd.s32 $0xFFFFFFA0, s30;
	[sflag:s18] =	ssyncadd.s32 $0xFFFFD000  }
0x5e: {  	[tilespmem:s21], [sflag:$0x1] =	stream.indirect.gather [hbm4b:s4+s20], $0x80, s19, s20, $0xb8;
	[tilespmem:$0x1FB80] =	vst v63  }
0x5f: {  	s19 =	smov.u32 s0;
	s0 =	sadd.s32 $0x400, s0;
	_ =	swait.ge [sflag:s22], $0x3000  }
0x60: {  	s2 =	sshra.s32 s31, $0x2;
	s31 =	smov.u32 s19;
	[sflag:s22] =	ssyncset.done $0x0  }
0x61: {  	s19 =	sadd.s32 $0x2780, s2;
	[sflag:s22] =	ssyncadd.s32 $0xFFFFD000  }
0x62: {  	[spmem:s1] =	stream.indirect.scatter.add.f32 [tilespmem:s17], [sflag:$0x2], $0x80, s19, s20, $0xb8;
	[tilespmem:$0x1FB80] =	vst v63  }
0x63: {  	_ =	swait.ge [sflag:s18], $0x3000  }
0x64: {  	[sflag:s18] =	ssyncset.done $0x0  }
0x65: {  	[sflag:s18] =	ssyncadd.s32 $0xFFFFD000  }
0x66: {  	[tilespmem:s17], [sflag:$0x1] =	stream.indirect.gather [hbm4b:s4+s20], $0x80, s30, s20, $0xb8;
	[tilespmem:$0x1FB80] =	vst v63  }
0x67: {  	_ =	swait.ge [sflag:s22], $0x3000  }
.Ltmp1:
0x68: {  	[sflag:s22] =	ssyncset.done $0x0;
	(pc) =	sbr.rel @p1 .LBB2_4-.Ltmp1, $4  }
0x69: {  	s2 =	sadd.s32 $0x2800, s2;
	[sflag:s22] =	ssyncadd.s32 $0xFFFFD000  }
0x6a: {  	[spmem:s1] =	stream.indirect.scatter.add.f32 [tilespmem:s21], [sflag:$0x2], $0x80, s2, s20, $0xb8;
	[tilespmem:$0x1FB80] =	vst v63  }
0x6b: {  	_ =	swait.ge [sflag:s18], $0x3000  }
0x6c: {  	s30 =	sadd.s32 $0xC0, s30;
	[sflag:s18] =	ssyncset.done $0x0  }
0x6d: {  	s0 =	sadd.s32 $0xFFFFFFA0, s30;
	[sflag:s18] =	ssyncadd.s32 $0xFFFFD000  }
0x6e: {  	[tilespmem:s21], [sflag:$0x1] =	stream.indirect.gather [hbm4b:s4+s20], $0x80, s0, s20, $0xb8;
	[tilespmem:$0x1FB80] =	vst v63  }
0x6f: {  	_ =	swait.ge [sflag:s22], $0x3000  }
0x70: {  	s19 =	sshra.s32 s31, $0x2;
	[sflag:s22] =	ssyncset.done $0x0  }
0x71: {  	s2 =	sadd.s32 $0x2780, s19;
	[sflag:s22] =	ssyncadd.s32 $0xFFFFD000  }
0x72: {  	[spmem:s1] =	stream.indirect.scatter.add.f32 [tilespmem:s17], [sflag:$0x2], $0x80, s2, s20, $0xb8;
	[tilespmem:$0x1FB80] =	vst v63  }
0x73: {  	_ =	swait.ge [sflag:s18], $0x3000  }
0x74: {  	[sflag:s18] =	ssyncset.done $0x0  }
0x75: {  	[sflag:s18] =	ssyncadd.s32 $0xFFFFD000  }
0x76: {  	[tilespmem:s17], [sflag:$0x1] =	stream.indirect.gather [hbm4b:s4+s20], $0x80, s30, s20, $0xb8;
	[tilespmem:$0x1FB80] =	vst v63  }
0x77: {  	_ =	swait.ge [sflag:s22], $0x3000  }
0x78: {  	[sflag:s22] =	ssyncset.done $0x0  }
0x79: {  	s0 =	sadd.s32 $0x2800, s19;
	[sflag:s22] =	ssyncadd.s32 $0xFFFFD000  }
0x7a: {  	[spmem:s1] =	stream.indirect.scatter.add.f32 [tilespmem:s21], [sflag:$0x2], $0x80, s0, s20, $0xb8;
	[tilespmem:$0x1FB80] =	vst v63  }
0x7b: {  	_ =	swait.ge [sflag:s18], $0x3000  }
0x7c: {  	[sflag:s18] =	ssyncset.done $0x0  }
0x7d: {  	[sflag:s18] =	ssyncadd.s32 $0xFFFFD000  }
0x7e: {  	_ =	swait.ge [sflag:s22], $0x3000  }
0x7f: {  	[sflag:s22] =	ssyncset.done $0x0  }
0x80: {  	s30 =	simm.s32 $0x5B80;
	[sflag:s22] =	ssyncadd.s32 $0xFFFFD000  }
0x81: {  	[spmem:s1] =	stream.indirect.scatter.add.f32 [tilespmem:s17], [sflag:$0x2], $0x80, s30, s20, $0xb8;
	[tilespmem:$0x1FB80] =	vst v63  }
0x82: {  	_ =	swait.ge [sflag:s18], $0x3000  }
0x83: {  	[sflag:s18] =	ssyncset.done $0x0  }
0x84: {  	[sflag:s18] =	ssyncadd.s32 $0xFFFFD000  }
0x85: {  	s31 =	sshll.u32 s23, $0x6;
	_ =	strace $0x80000049  }
0x86: {  	s0 =	sor.u32 $0x1C02, s31;
	[bflag:$0x0] =	sbarrier.arrive $0xFFFF  }
0x87: {  	[hbm:s14@s28], [sflag:s0] =	dma.strided [spmem:s24@s29], $0x2700, s26, $0x10   }
0x88: {  	s3 =	sadd.s32 $0x1, s3;
	_ =	swait.ge [sflag:s18], $0x2700  }
0x89: {  	s19 =	simm.s32 @!p0 $0x100;
	p1 =	sne.s32 s3, s16;
	[sflag:s18] =	ssyncset.done $0x0  }
0x8a: {  	s2 =	simm.s32 @!p0 $0x8;
	s30 =	simm.s32 @!p0 $0x80;
	[sflag:s18] =	ssyncadd.s32 $0xFFFFD900  }
0x8b: {  	[hbm:s15@s19], [sflag:s0] =	dma.strided @!p0 [spmem:s25@s30], $0x100, s2, $0x10   }
.Ltmp2:
0x8c: {  	s0 =	simm.s32 @!p0 $0x2;
	(pc) =	sbr.rel @p1 .LBB2_1-.Ltmp2, $4  }
0x8d: {  	_ =	swait.ge @!p0 [sflag:s0], $0x100  }
0x8e: {  	[sflag:s0] =	ssyncset.done @!p0 $0x0  }
0x8f: {  	[sflag:s0] =	ssyncadd.s32 @!p0 $0xFFFFFF00  }
0x90: {  	_ =	strace $0x90000049  }
0x91: {  	_ =	sfence.sel $0x180000  }
0x92: {  	[bflag:$0x0] =	sbarrier.arrive $0xFFFF  }
0x93: {  	_ =	strace $0x90000047  }
0x94: {  	[bflag:$0x2] =	sbarrier.arrive $0xFFFF  }
0x95: {  	p0 =	sne.s32 s23, $0x0;
	s0 =	rddreg [dreg:$0x3]  }
0x96: {  	s0 =	sadd.s32 @!p0 $0x100000, s0  }
0x97: {  	[sflag:s0] =	ssyncadd.tile.s32 @!p0 $0x1;
	_ =	shalt  }
.Lfunc_end2:
_tile_overlayer_lowered:
.L_overlay_start_2:
0x98: {  	(tag) =	ssettag $0x2  }
0x99: {  	s0 =	rddreg [dreg:$0x0];
	s2 =	stileid.u32  }
0x9a: {  	s1 =	rddreg [dreg:$0x1];
	p0 =	sne.s32 s2, $0x0  }
0x9b: {  	s3 =	rddreg [dreg:$0x2];
	[bflag:$0x3] =	sbarrier.arrive $0xFFFF;
	s2 =	simm.s32 @!p0 $0x1C02  }
0x9c: {  	[timem:s3], [sflag:s2] =	dma.local @!p0 [hbm:s0], s1  }
0x9d: {  	s0 =	simm.s32 @!p0 $0x2  }
0x9e: {  	_ =	swait.ge @!p0 [sflag:s0], s1  }
0x9f: {  	s1 =	ssub.s32 @!p0 $0x0, s1;
	[sflag:s0] =	ssyncset.done @!p0 $0x0  }
0xa0: {  	[sflag:s0] =	ssyncadd.s32 @!p0 s1  }
0xa1: {  	[bflag:$0x3] =	sbarrier.arrive $0xFFFF  }
0xa2: {  	_ =	shalt  }

</sc_bundles>
